<compile_context>
chip_gen: v7x
topology: tpu7x:2x2x1
jax: 0.10.2.dev20260603
libtpu: 0.0.44.dev20260713+nightly
codegen_flags: <defaults>
</compile_context>

<pallas_src>
import functools

import jax
import jax.numpy as jnp
from jax import lax
from jax.experimental import pallas as pl
from jax.experimental.pallas import tpu as pltpu
from jax.experimental.pallas import tpu_sc as plsc

N = 65536
C = 1000
H = 512
L = 16
NC, NS = 2, 16
NW = NC * NS
ROWS_PW = N // NW
R = 32
CHUNKS = ROWS_PW // R
NFULL = C // L
NDUP = L - (C - NFULL * L)
TAIL = C - L

BLOCK_MLP = 2048


def _sc_energy_body(x_hbm, w_hbm, out_hbm, wbuf, xbuf, obuf):
    wid = lax.axis_index("s") * NC + lax.axis_index("c")
    base_row = wid * ROWS_PW

    pltpu.sync_copy(w_hbm, wbuf)

    def relu_body(j, carry):
        off = pl.multiple_of(j * L, L)
        wbuf[pl.ds(off, L)] = jnp.maximum(wbuf[pl.ds(off, L)], 0.0)
        return carry

    lax.fori_loop(0, NFULL, relu_body, 0)
    lane = lax.iota(jnp.int32, L)
    wt = jnp.where(lane < NDUP, 0.0, jnp.maximum(wbuf[pl.ds(TAIL, L)], 0.0))

    def chunk_body(ci, carry):
        row0 = ci * R
        pltpu.sync_copy(x_hbm.at[pl.ds(base_row + row0, R), :], xbuf)

        def row_body(r, carry2):
            def mx(j, mv):
                off = pl.multiple_of(j * L, L)
                return jnp.maximum(mv, xbuf[r, pl.ds(off, L)])

            mv = lax.fori_loop(0, NFULL, mx,
                               jnp.full((L,), -jnp.inf, jnp.float32))
            mv = jnp.maximum(mv, xbuf[r, pl.ds(TAIL, L)])

            def sm(j, sv):
                off = pl.multiple_of(j * L, L)
                return sv + (jnp.exp(xbuf[r, pl.ds(off, L)] - mv)
                             * wbuf[pl.ds(off, L)])

            sv = lax.fori_loop(0, NFULL, sm, jnp.zeros((L,), jnp.float32))
            sv = sv + jnp.exp(xbuf[r, pl.ds(TAIL, L)] - mv) * wt
            obuf[r, pl.ds(0, L)] = mv
            obuf[r, pl.ds(L, L)] = sv
            return carry2

        lax.fori_loop(0, R, row_body, 0)
        pltpu.sync_copy(obuf, out_hbm.at[pl.ds(base_row + row0, R), :])
        return carry

    lax.fori_loop(0, CHUNKS, chunk_body, 0)


def _sc_energy(cls_logits, w):
    mesh = plsc.VectorSubcoreMesh(core_axis_name="c", subcore_axis_name="s")
    kern = functools.partial(
        pl.kernel,
        mesh=mesh,
        out_type=jax.ShapeDtypeStruct((N, 2 * L), jnp.float32),
        scratch_types=[
            pltpu.VMEM((C,), jnp.float32),
            pltpu.VMEM((R, C), jnp.float32),
            pltpu.VMEM((R, 2 * L), jnp.float32),
        ],
    )(_sc_energy_body)
    return kern(cls_logits, w)


def _mlp_body(ms_ref, w1_ref, b1_ref, w2_ref, b2_ref, out_ref):
    mv = ms_ref[:, :L]
    sv = ms_ref[:, L:]
    m = jnp.max(mv, axis=1, keepdims=True)
    s = jnp.sum(sv * jnp.exp(mv - m), axis=1, keepdims=True)
    e = m + jnp.log(s)
    h = jax.nn.relu(e * w1_ref[...] + b1_ref[...])
    d = jnp.sum(h * w2_ref[...], axis=1, keepdims=True) + b2_ref[0, 0]
    out_ref[...] = jax.nn.sigmoid(d)


def _tc_mlp(ms, W1, b1, W2, b2):
    small = lambda shape: pl.BlockSpec(shape, lambda i: (0, 0))
    return pl.pallas_call(
        _mlp_body,
        grid=(N // BLOCK_MLP,),
        in_specs=[
            pl.BlockSpec((BLOCK_MLP, 2 * L), lambda i: (i, 0)),
            small((1, H)), small((1, H)), small((1, H)), small((1, 1)),
        ],
        out_specs=pl.BlockSpec((BLOCK_MLP, 1), lambda i: (i, 0)),
        out_shape=jax.ShapeDtypeStruct((N, 1), jnp.float32),
    )(ms, W1.reshape(1, H), b1.reshape(1, H), W2.reshape(1, H),
      b2.reshape(1, 1))


def kernel(cls_logits, energy_score_weights, W1, b1, W2, b2):
    ms = _sc_energy(cls_logits, energy_score_weights.reshape(C))
    return _tc_mlp(ms, W1, b1, W2, b2)

# --- scband reference (transcript-rebuilt; emitter-appended) ---
"""Pipeline reference for scband-voshead-af-41850161332615 (READ-ONLY COPY).

The authoritative reference and input builder live on the scoring server;
editing this copy changes nothing except your own understanding.
"""

import jax, jax.numpy as jnp
import numpy as np

N = 65536
NUM_CLASSES = 1000


def setup_inputs(seed: int = 0) -> dict:
    key = jax.random.key(seed)
    k1, k2, k3, k4, k5, k6 = jax.random.split(key, 6)
    cls_logits = jax.random.normal(k1, (N, NUM_CLASSES), dtype=jnp.float32)
    # learned params (sizes per __init__)
    energy_score_weights = jax.random.uniform(k2, (NUM_CLASSES, 1), dtype=jnp.float32)
    # dist_classifier: Linear(1, 512) -> ReLU -> Linear(512, 1); torch Linear weight is [out, in]
    W1 = jax.random.normal(k3, (512, 1), dtype=jnp.float32) * (1.0 / np.sqrt(1.0))
    b1 = jax.random.normal(k4, (512,), dtype=jnp.float32) * 0.01
    W2 = jax.random.normal(k5, (1, 512), dtype=jnp.float32) * (1.0 / np.sqrt(512.0))
    b2 = jax.random.normal(k6, (1,), dtype=jnp.float32) * 0.01
    return {"cls_logits": cls_logits, "energy_score_weights": energy_score_weights,
            "W1": W1, "b1": b1, "W2": W2, "b2": b2}


def reference(cls_logits, energy_score_weights, W1, b1, W2, b2):
    # get_energy_score(scores, filter_empty_classes=False)
    w_e = jax.nn.relu(energy_score_weights)            # [C, 1]
    m = jnp.max(cls_logits, axis=1, keepdims=True)     # [N, 1]
    x_tilda = jnp.exp(cls_logits - m)                  # [N, C]
    x_tilda = x_tilda @ w_e                            # [N, 1]
    energy_scores = m + jnp.log(x_tilda)               # [N, 1]
    # dist_classifier: Linear(1,512) -> ReLU -> Linear(512,1)
    h = jax.nn.relu(energy_scores @ W1.T + b1)         # [N, 512]
    dist_logits = h @ W2.T + b2                        # [N, 1]
    dist_scores = jax.nn.sigmoid(dist_logits)          # [N, 1]
    return dist_scores

if __name__ == "__main__":
    import jax
    _d = setup_inputs()
    print(jax.jit(kernel)(*tuple(_d.values())))

</pallas_src>

<mosaic_0001>
#map = affine_map<(d0, d1) -> (0, 0)>
#map1 = affine_map<(d0, d1) -> (0)>
module attributes {stable_mosaic.version = 14 : i64} {
  func.func @_sc_energy_body(%arg0: i32, %arg1: i32, %arg2: memref<65536x1000xf32, #tpu.memory_space<hbm>>, %arg3: memref<1000xf32, #tpu.memory_space<hbm>>, %arg4: memref<65536x32xf32, #tpu.memory_space<hbm>>, %arg5: memref<1000xf32, #tpu.memory_space<vmem>>, %arg6: memref<32x1000xf32, #tpu.memory_space<vmem>>, %arg7: memref<32x32xf32, #tpu.memory_space<vmem>>) attributes {dimension_semantics = [#tpu.dimension_semantics<core_parallel>, #tpu.dimension_semantics<subcore_parallel>], iteration_bounds = array<i64: 2, 16>, scalar_prefetch = 0 : i64, scratch_operands = 3 : i64, tpu.core_type = #tpu.core_type<sc_vector_subcore>, window_params = [{transform_indices = #map}, {transform_indices = #map1}, {transform_indices = #map}]} {
    %mul3A = arith.constant 2 : i32
    %mul3A_0 = arith.muli %arg1, %mul3A : i32
    %add3A = arith.addi %mul3A_0, %arg0 : i32
    %mul3A_1 = arith.constant 2048 : i32
    %mul3A_2 = arith.muli %add3A, %mul3A_1 : i32
    "tpu.region"() ({
      %run_scoped3A = tpu.sem_alloc : memref<!tpu.dma_semaphore, #tpu.memory_space<semaphore_mem>>
      tpu.enqueue_dma source(%arg3 : memref<1000xf32, #tpu.memory_space<hbm>>) target(%arg5 : memref<1000xf32, #tpu.memory_space<vmem>>) target_semaphore(%run_scoped3A : memref<!tpu.dma_semaphore, #tpu.memory_space<semaphore_mem>>)
      tpu.wait_dma2 semaphore(%run_scoped3A : memref<!tpu.dma_semaphore, #tpu.memory_space<semaphore_mem>>) src(%arg3 : memref<1000xf32, #tpu.memory_space<hbm>>) dst(%arg5 : memref<1000xf32, #tpu.memory_space<vmem>>)
      tpu.yield
    }) : () -> ()
    %scan3A = arith.constant 0 : i32
    %scan3A_3 = arith.constant 0 : i32
    %scan3A_4 = arith.constant 62 : i32
    %scan3A_5 = arith.addi %scan3A_3, %scan3A_4 : i32
    %scan3A_6 = arith.constant 1 : i32
    scf.for %scan3A_20 = %scan3A_3 to %scan3A_5 step %scan3A_6  : i32 {
      %mul3A_21 = arith.constant 16 : i32
      %mul3A_22 = arith.muli %scan3A_20, %mul3A_21 : i32
      %multiple_of3A = tpu.assume_multiple %mul3A_22, 16 : i32
      %get3A_23 = arith.index_cast %multiple_of3A : i32 to index
      %get3A_24 = tpu.vector_load %arg5[%get3A_23] {strides = array<i32>} : memref<1000xf32, #tpu.memory_space<vmem>>, vector<16xf32>,
      %get3A_25 = vector.shape_cast %get3A_24 : vector<16xf32> to vector<16xf32>
      %max3A_26 = arith.constant 0.000000e+00 : f32
      %max3A_27 = vector.broadcast %max3A_26 : f32 to vector<16xf32>
      %max3A_28 = arith.maximumf %get3A_25, %max3A_27 : vector<16xf32>
      %swap3A = arith.index_cast %multiple_of3A : i32 to index
      %swap3A_29 = tpu.vector_load %arg5[%swap3A] {strides = array<i32>} : memref<1000xf32, #tpu.memory_space<vmem>>, vector<16xf32>,
      %swap3A_30 = vector.shape_cast %swap3A_29 : vector<16xf32> to vector<16xf32>
      %swap3A_31 = vector.shape_cast %max3A_28 : vector<16xf32> to vector<16xf32>
      tpu.vector_store %arg5[%swap3A], %swap3A_31 {strides = array<i32>} : memref<1000xf32, #tpu.memory_space<vmem>>, vector<16xf32>,
    }
    %scan3A_7 = arith.constant 62 : i32
    %iota3A = tpu.iota {dimensions = array<i32: 0>} : vector<16xi32>
    %lt3A = arith.constant 8 : i32
    %lt3A_8 = vector.broadcast %lt3A : i32 to vector<16xi32>
    %lt3A_9 = arith.cmpi slt, %iota3A, %lt3A_8 : vector<16xi32>
    %get3A = arith.constant 984 : index
    %get3A_10 = tpu.vector_load %arg5[%get3A] {strides = array<i32>} : memref<1000xf32, #tpu.memory_space<vmem>>, vector<16xf32>,
    %get3A_11 = vector.shape_cast %get3A_10 : vector<16xf32> to vector<16xf32>
    %max3A = arith.constant 0.000000e+00 : f32
    %max3A_12 = vector.broadcast %max3A : f32 to vector<16xf32>
    %max3A_13 = arith.maximumf %get3A_11, %max3A_12 : vector<16xf32>
    %jit3A = arith.constant 0.000000e+00 : f32
    %broadcast_in_dim3A = vector.broadcast %jit3A : f32 to vector<16xf32>
    %select_n3A = arith.select %lt3A_9, %broadcast_in_dim3A, %max3A_13 : vector<16xi1>, vector<16xf32>
    %scan3A_14 = arith.constant 0 : i32
    %scan3A_15 = arith.constant 0 : i32
    %scan3A_16 = arith.constant 64 : i32
    %scan3A_17 = arith.addi %scan3A_15, %scan3A_16 : i32
    %scan3A_18 = arith.constant 1 : i32
    scf.for %scan3A_20 = %scan3A_15 to %scan3A_17 step %scan3A_18  : i32 {
      %mul3A_21 = arith.constant 32 : i32
      %mul3A_22 = arith.muli %scan3A_20, %mul3A_21 : i32
      %add3A_23 = arith.addi %mul3A_2, %mul3A_22 : i32
      "tpu.region"() ({
        %run_scoped3A = tpu.sem_alloc : memref<!tpu.dma_semaphore, #tpu.memory_space<semaphore_mem>>
        %dma_start3A = arith.constant 0 : i32
        %dma_start3A_31 = tpu.memref_slice %arg2[%add3A_23, %dma_start3A] : memref<65536x1000xf32, #tpu.memory_space<hbm>> -> memref<32x1000xf32, #tpu.memory_space<hbm>>
        %dma_start3A_32 = arith.constant 0 : i32
        %dma_start3A_33 = tpu.memref_slice %arg2[%add3A_23, %dma_start3A_32] : memref<65536x1000xf32, #tpu.memory_space<hbm>> -> memref<32x1000xf32, #tpu.memory_space<hbm>>
        tpu.enqueue_dma source(%dma_start3A_33 : memref<32x1000xf32, #tpu.memory_space<hbm>>) target(%arg6 : memref<32x1000xf32, #tpu.memory_space<vmem>>) target_semaphore(%run_scoped3A : memref<!tpu.dma_semaphore, #tpu.memory_space<semaphore_mem>>)
        %dma_wait3A = arith.constant 0 : i32
        %dma_wait3A_34 = tpu.memref_slice %arg2[%add3A_23, %dma_wait3A] : memref<65536x1000xf32, #tpu.memory_space<hbm>> -> memref<32x1000xf32, #tpu.memory_space<hbm>>
        %dma_wait3A_35 = arith.constant 0 : i32
        %dma_wait3A_36 = tpu.memref_slice %arg2[%add3A_23, %dma_wait3A_35] : memref<65536x1000xf32, #tpu.memory_space<hbm>> -> memref<32x1000xf32, #tpu.memory_space<hbm>>
        tpu.wait_dma2 semaphore(%run_scoped3A : memref<!tpu.dma_semaphore, #tpu.memory_space<semaphore_mem>>) src(%dma_wait3A_36 : memref<32x1000xf32, #tpu.memory_space<hbm>>) dst(%arg6 : memref<32x1000xf32, #tpu.memory_space<vmem>>)
        tpu.yield
      }) : () -> ()
      %scan3A_24 = arith.constant 0 : i32
      %scan3A_25 = arith.constant 0 : i32
      %scan3A_26 = arith.constant 32 : i32
      %scan3A_27 = arith.addi %scan3A_25, %scan3A_26 : i32
      %scan3A_28 = arith.constant 1 : i32
      scf.for %scan3A_31 = %scan3A_25 to %scan3A_27 step %scan3A_28  : i32 {
        %broadcast_in_dim3A_32 = arith.constant 0xFF800000 : f32
        %broadcast_in_dim3A_33 = vector.broadcast %broadcast_in_dim3A_32 : f32 to vector<16xf32>
        %scan3A_34 = arith.constant 0 : i32
        %scan3A_35 = arith.constant 62 : i32
        %scan3A_36 = arith.addi %scan3A_34, %scan3A_35 : i32
        %scan3A_37 = arith.constant 1 : i32
        %scan3A_38 = scf.for %scan3A_68 = %scan3A_34 to %scan3A_36 step %scan3A_37 iter_args(%scan3A_69 = %broadcast_in_dim3A_33) -> (vector<16xf32>)  : i32 {
          %mul3A_70 = arith.constant 16 : i32
          %mul3A_71 = arith.muli %scan3A_68, %mul3A_70 : i32
          %multiple_of3A = tpu.assume_multiple %mul3A_71, 16 : i32
          %get3A_72 = arith.index_cast %scan3A_31 : i32 to index
          %get3A_73 = arith.index_cast %multiple_of3A : i32 to index
          %get3A_74 = tpu.vector_load %arg6[%get3A_72, %get3A_73] {strides = array<i32>} : memref<32x1000xf32, #tpu.memory_space<vmem>>, vector<1x16xf32>,
          %get3A_75 = vector.shape_cast %get3A_74 : vector<1x16xf32> to vector<16xf32>
          %max3A_76 = arith.maximumf %scan3A_69, %get3A_75 : vector<16xf32>
          scf.yield %max3A_76 : vector<16xf32>
        }
        %scan3A_39 = arith.constant 62 : i32
        %get3A_40 = arith.index_cast %scan3A_31 : i32 to index
        %get3A_41 = arith.constant 984 : index
        %get3A_42 = tpu.vector_load %arg6[%get3A_40, %get3A_41] {strides = array<i32>} : memref<32x1000xf32, #tpu.memory_space<vmem>>, vector<1x16xf32>,
        %get3A_43 = vector.shape_cast %get3A_42 : vector<1x16xf32> to vector<16xf32>
        %max3A_44 = arith.maximumf %scan3A_38, %get3A_43 : vector<16xf32>
        %broadcast_in_dim3A_45 = arith.constant 0.000000e+00 : f32
        %broadcast_in_dim3A_46 = vector.broadcast %broadcast_in_dim3A_45 : f32 to vector<16xf32>
        %scan3A_47 = arith.constant 0 : i32
        %scan3A_48 = arith.constant 62 : i32
        %scan3A_49 = arith.addi %scan3A_47, %scan3A_48 : i32
        %scan3A_50 = arith.constant 1 : i32
        %scan3A_51 = scf.for %scan3A_68 = %scan3A_47 to %scan3A_49 step %scan3A_50 iter_args(%scan3A_69 = %broadcast_in_dim3A_46) -> (vector<16xf32>)  : i32 {
          %mul3A_70 = arith.constant 16 : i32
          %mul3A_71 = arith.muli %scan3A_68, %mul3A_70 : i32
          %multiple_of3A = tpu.assume_multiple %mul3A_71, 16 : i32
          %get3A_72 = arith.index_cast %scan3A_31 : i32 to index
          %get3A_73 = arith.index_cast %multiple_of3A : i32 to index
          %get3A_74 = tpu.vector_load %arg6[%get3A_72, %get3A_73] {strides = array<i32>} : memref<32x1000xf32, #tpu.memory_space<vmem>>, vector<1x16xf32>,
          %get3A_75 = vector.shape_cast %get3A_74 : vector<1x16xf32> to vector<16xf32>
          %sub3A_76 = arith.subf %get3A_75, %max3A_44 : vector<16xf32>
          %exp3A_77 = math.exp %sub3A_76 : vector<16xf32>
          %get3A_78 = arith.index_cast %multiple_of3A : i32 to index
          %get3A_79 = tpu.vector_load %arg5[%get3A_78] {strides = array<i32>} : memref<1000xf32, #tpu.memory_space<vmem>>, vector<16xf32>,
          %get3A_80 = vector.shape_cast %get3A_79 : vector<16xf32> to vector<16xf32>
          %mul3A_81 = arith.mulf %exp3A_77, %get3A_80 : vector<16xf32>
          %add3A_82 = arith.addf %scan3A_69, %mul3A_81 : vector<16xf32>
          scf.yield %add3A_82 : vector<16xf32>
        }
        %scan3A_52 = arith.constant 62 : i32
        %get3A_53 = arith.index_cast %scan3A_31 : i32 to index
        %get3A_54 = arith.constant 984 : index
        %get3A_55 = tpu.vector_load %arg6[%get3A_53, %get3A_54] {strides = array<i32>} : memref<32x1000xf32, #tpu.memory_space<vmem>>, vector<1x16xf32>,
        %get3A_56 = vector.shape_cast %get3A_55 : vector<1x16xf32> to vector<16xf32>
        %sub3A = arith.subf %get3A_56, %max3A_44 : vector<16xf32>
        %exp3A = math.exp %sub3A : vector<16xf32>
        %mul3A_57 = arith.mulf %exp3A, %select_n3A : vector<16xf32>
        %add3A_58 = arith.addf %scan3A_51, %mul3A_57 : vector<16xf32>
        %swap3A = arith.index_cast %scan3A_31 : i32 to index
        %swap3A_59 = arith.constant 0 : index
        %swap3A_60 = tpu.vector_load %arg7[%swap3A, %swap3A_59] {strides = array<i32>} : memref<32x32xf32, #tpu.memory_space<vmem>>, vector<1x16xf32>,
        %swap3A_61 = vector.shape_cast %swap3A_60 : vector<1x16xf32> to vector<16xf32>
        %swap3A_62 = vector.shape_cast %max3A_44 : vector<16xf32> to vector<1x16xf32>
        tpu.vector_store %arg7[%swap3A, %swap3A_59], %swap3A_62 {strides = array<i32>} : memref<32x32xf32, #tpu.memory_space<vmem>>, vector<1x16xf32>,
        %swap3A_63 = arith.index_cast %scan3A_31 : i32 to index
        %swap3A_64 = arith.constant 16 : index
        %swap3A_65 = tpu.vector_load %arg7[%swap3A_63, %swap3A_64] {strides = array<i32>} : memref<32x32xf32, #tpu.memory_space<vmem>>, vector<1x16xf32>,
        %swap3A_66 = vector.shape_cast %swap3A_65 : vector<1x16xf32> to vector<16xf32>
        %swap3A_67 = vector.shape_cast %add3A_58 : vector<16xf32> to vector<1x16xf32>
        tpu.vector_store %arg7[%swap3A_63, %swap3A_64], %swap3A_67 {strides = array<i32>} : memref<32x32xf32, #tpu.memory_space<vmem>>, vector<1x16xf32>,
      }
      %scan3A_29 = arith.constant 32 : i32
      %add3A_30 = arith.addi %mul3A_2, %mul3A_22 : i32
      "tpu.region"() ({
        %run_scoped3A = tpu.sem_alloc : memref<!tpu.dma_semaphore, #tpu.memory_space<semaphore_mem>>
        %dma_start3A = arith.constant 0 : i32
        %dma_start3A_31 = tpu.memref_slice %arg4[%add3A_30, %dma_start3A] : memref<65536x32xf32, #tpu.memory_space<hbm>> -> memref<32x32xf32, #tpu.memory_space<hbm>>
        %dma_start3A_32 = arith.constant 0 : i32
        %dma_start3A_33 = tpu.memref_slice %arg4[%add3A_30, %dma_start3A_32] : memref<65536x32xf32, #tpu.memory_space<hbm>> -> memref<32x32xf32, #tpu.memory_space<hbm>>
        tpu.enqueue_dma source(%arg7 : memref<32x32xf32, #tpu.memory_space<vmem>>) target(%dma_start3A_33 : memref<32x32xf32, #tpu.memory_space<hbm>>) target_semaphore(%run_scoped3A : memref<!tpu.dma_semaphore, #tpu.memory_space<semaphore_mem>>)
        %dma_wait3A = arith.constant 0 : i32
        %dma_wait3A_34 = tpu.memref_slice %arg4[%add3A_30, %dma_wait3A] : memref<65536x32xf32, #tpu.memory_space<hbm>> -> memref<32x32xf32, #tpu.memory_space<hbm>>
        %dma_wait3A_35 = arith.constant 0 : i32
        %dma_wait3A_36 = tpu.memref_slice %arg4[%add3A_30, %dma_wait3A_35] : memref<65536x32xf32, #tpu.memory_space<hbm>> -> memref<32x32xf32, #tpu.memory_space<hbm>>
        tpu.wait_dma2 semaphore(%run_scoped3A : memref<!tpu.dma_semaphore, #tpu.memory_space<semaphore_mem>>) src(%arg7 : memref<32x32xf32, #tpu.memory_space<vmem>>) dst(%dma_wait3A_36 : memref<32x32xf32, #tpu.memory_space<hbm>>)
        tpu.yield
      }) : () -> ()
    }
    %scan3A_19 = arith.constant 64 : i32
    return
  }
}

module attributes {stable_mosaic.version = 14 : i64} {
  func.func @_mlp_body(%arg0: i32, %arg1: memref<2048x32xf32, #tpu.memory_space<vmem>>, %arg2: memref<1x512xf32, #tpu.memory_space<vmem>>, %arg3: memref<1x512xf32, #tpu.memory_space<vmem>>, %arg4: memref<1x512xf32, #tpu.memory_space<vmem>>, %arg5: memref<1x1xf32, #tpu.memory_space<vmem>>, %arg6: memref<2048x1xf32, #tpu.memory_space<vmem>>) attributes {dimension_semantics = [#tpu.dimension_semantics<arbitrary>], iteration_bounds = array<i64: 32>, scalar_prefetch = 0 : i64, scratch_operands = 0 : i64, tpu.core_type = #tpu.core_type<tc>, window_params = [{transform_indices = @transform_0, window_bounds = array<i64: 2048, 32>}, {pipeline_mode = #tpu.pipeline_mode<synchronous>, transform_indices = @transform_1, window_bounds = array<i64: 1, 512>}, {pipeline_mode = #tpu.pipeline_mode<synchronous>, transform_indices = @transform_2, window_bounds = array<i64: 1, 512>}, {pipeline_mode = #tpu.pipeline_mode<synchronous>, transform_indices = @transform_3, window_bounds = array<i64: 1, 512>}, {pipeline_mode = #tpu.pipeline_mode<synchronous>, transform_indices = @transform_4, window_bounds = array<i64: 1, 1>}, {transform_indices = @transform_5, window_bounds = array<i64: 2048, 1>}]} {
    %get3A = arith.constant 0 : index
    %get3A_0 = arith.constant 0 : index
    %get3A_1 = vector.load %arg1[%get3A, %get3A_0] : memref<2048x32xf32, #tpu.memory_space<vmem>>, vector<2048x16xf32>
    %get3A_2 = arith.constant 0 : index
    %get3A_3 = arith.constant 16 : index
    %get3A_4 = vector.load %arg1[%get3A_2, %get3A_3] : memref<2048x32xf32, #tpu.memory_space<vmem>>, vector<2048x16xf32>
    %reduce_max3A = arith.constant dense<0xFF800000> : vector<2048xf32>
    %reduce_max3A_5 = vector.multi_reduction <maximumf>, %get3A_1, %reduce_max3A [1] : vector<2048x16xf32> to vector<2048xf32>
    %broadcast_in_dim3A = vector.shape_cast %reduce_max3A_5 : vector<2048xf32> to vector<2048x1xf32>
    %sub3A = vector.broadcast %broadcast_in_dim3A : vector<2048x1xf32> to vector<2048x16xf32>
    %sub3A_6 = arith.subf %get3A_1, %sub3A : vector<2048x16xf32>
    %exp3A = math.exp %sub3A_6 : vector<2048x16xf32>
    %mul3A = arith.mulf %get3A_4, %exp3A : vector<2048x16xf32>
    %reduce_sum3A = arith.constant dense<0.000000e+00> : vector<2048xf32>
    %reduce_sum3A_7 = vector.multi_reduction <add>, %mul3A, %reduce_sum3A [1] : vector<2048x16xf32> to vector<2048xf32>
    %broadcast_in_dim3A_8 = vector.shape_cast %reduce_sum3A_7 : vector<2048xf32> to vector<2048x1xf32>
    %log3A = math.log %broadcast_in_dim3A_8 : vector<2048x1xf32>
    %add3A = arith.addf %broadcast_in_dim3A, %log3A : vector<2048x1xf32>
    %get3A_9 = arith.constant 0 : index
    %get3A_10 = arith.constant 0 : index
    %get3A_11 = vector.load %arg2[%get3A_9, %get3A_10] : memref<1x512xf32, #tpu.memory_space<vmem>>, vector<1x512xf32>
    %mul3A_12 = vector.broadcast %add3A : vector<2048x1xf32> to vector<2048x512xf32>
    %mul3A_13 = vector.broadcast %get3A_11 : vector<1x512xf32> to vector<2048x512xf32>
    %mul3A_14 = arith.mulf %mul3A_12, %mul3A_13 : vector<2048x512xf32>
    %get3A_15 = arith.constant 0 : index
    %get3A_16 = arith.constant 0 : index
    %get3A_17 = vector.load %arg3[%get3A_15, %get3A_16] : memref<1x512xf32, #tpu.memory_space<vmem>>, vector<1x512xf32>
    %add3A_18 = vector.broadcast %get3A_17 : vector<1x512xf32> to vector<2048x512xf32>
    %add3A_19 = arith.addf %mul3A_14, %add3A_18 : vector<2048x512xf32>
    %max3A = arith.constant 0.000000e+00 : f32
    %max3A_20 = vector.broadcast %max3A : f32 to vector<2048x512xf32>
    %max3A_21 = arith.maximumf %add3A_19, %max3A_20 : vector<2048x512xf32>
    %get3A_22 = arith.constant 0 : index
    %get3A_23 = arith.constant 0 : index
    %get3A_24 = vector.load %arg4[%get3A_22, %get3A_23] : memref<1x512xf32, #tpu.memory_space<vmem>>, vector<1x512xf32>
    %mul3A_25 = vector.broadcast %get3A_24 : vector<1x512xf32> to vector<2048x512xf32>
    %mul3A_26 = arith.mulf %max3A_21, %mul3A_25 : vector<2048x512xf32>
    %reduce_sum3A_27 = arith.constant dense<0.000000e+00> : vector<2048xf32>
    %reduce_sum3A_28 = vector.multi_reduction <add>, %mul3A_26, %reduce_sum3A_27 [1] : vector<2048x512xf32> to vector<2048xf32>
    %broadcast_in_dim3A_29 = vector.shape_cast %reduce_sum3A_28 : vector<2048xf32> to vector<2048x1xf32>
    %get3A_30 = arith.constant 0 : index
    %get3A_31 = arith.constant 0 : index
    %get3A_32 = vector.load %arg5[%get3A_30, %get3A_31] : memref<1x1xf32, #tpu.memory_space<vmem>>, vector<1x1xf32>
    %get3A_33 = vector.extract %get3A_32[0, 0] : f32 from vector<1x1xf32>
    %add3A_34 = vector.broadcast %get3A_33 : f32 to vector<2048x1xf32>
    %add3A_35 = arith.addf %broadcast_in_dim3A_29, %add3A_34 : vector<2048x1xf32>
    %logistic3A = arith.negf %add3A_35 : vector<2048x1xf32>
    %logistic3A_36 = math.exp %logistic3A : vector<2048x1xf32>
    %logistic3A_37 = arith.constant 1.000000e+00 : f32
    %logistic3A_38 = vector.broadcast %logistic3A_37 : f32 to vector<2048x1xf32>
    %logistic3A_39 = arith.addf %logistic3A_38, %logistic3A_36 : vector<2048x1xf32>
    %logistic3A_40 = arith.divf %logistic3A_38, %logistic3A_39 : vector<2048x1xf32>
    %swap3A = arith.constant 0 : index
    %swap3A_41 = arith.constant 0 : index
    %swap3A_42 = vector.load %arg6[%swap3A, %swap3A_41] : memref<2048x1xf32, #tpu.memory_space<vmem>>, vector<2048x1xf32>
    tpu.vector_store %arg6[%swap3A, %swap3A_41], %logistic3A_40 {strides = array<i32>} : memref<2048x1xf32, #tpu.memory_space<vmem>>, vector<2048x1xf32>,
    return
  }
  func.func @transform_0(%arg0: i32) -> (i32, i32) {
    %c0_i32 = arith.constant 0 : i32
    %c0_i32_0 = arith.constant 0 : i32
    return %arg0, %c0_i32 : i32, i32
  }
  func.func @transform_1(%arg0: i32) -> (i32, i32) {
    %c0_i32 = arith.constant 0 : i32
    %c0_i32_0 = arith.constant 0 : i32
    %c0_i32_1 = arith.constant 0 : i32
    return %c0_i32, %c0_i32_0 : i32, i32
  }
  func.func @transform_2(%arg0: i32) -> (i32, i32) {
    %c0_i32 = arith.constant 0 : i32
    %c0_i32_0 = arith.constant 0 : i32
    %c0_i32_1 = arith.constant 0 : i32
    return %c0_i32, %c0_i32_0 : i32, i32
  }
  func.func @transform_3(%arg0: i32) -> (i32, i32) {
    %c0_i32 = arith.constant 0 : i32
    %c0_i32_0 = arith.constant 0 : i32
    %c0_i32_1 = arith.constant 0 : i32
    return %c0_i32, %c0_i32_0 : i32, i32
  }
  func.func @transform_4(%arg0: i32) -> (i32, i32) {
    %c0_i32 = arith.constant 0 : i32
    %c0_i32_0 = arith.constant 0 : i32
    %c0_i32_1 = arith.constant 0 : i32
    return %c0_i32, %c0_i32_0 : i32, i32
  }
  func.func @transform_5(%arg0: i32) -> (i32, i32) {
    %c0_i32 = arith.constant 0 : i32
    %c0_i32_0 = arith.constant 0 : i32
    return %arg0, %c0_i32 : i32, i32
  }
}

</mosaic_0001>

<sc_bundles>
// kernel: kernel.4.cloned.1.call-start
scs
__scs_entry_jumppad:
0x0: {  	(pc) =	sbr.rel $0x88, $3  }
0x1: {  	(tag) =	ssettag $0x0;
	lr =	simm.s32 $0x1  }
0x2: {  	[smem:$0x3F9B] =	sst lr;
	_ =	strace $0xD0000000  }
0x3: {  	_ = 	snop  }
0x4: {  	_ = 	snop  }
0x5: {  	_ = 	snop  }
0x6: {  	_ = 	snop  }
0x7: {  	_ = 	snop  }
__scs_overlays_trampoline_lowered:
0x8: {  	[smem:$0x3FAA] =	sst s0  }
0x9: {  	[smem:$0x3FAB] =	sst s1  }
0xa: {  	[smem:$0x3FAC] =	sst s2  }
0xb: {  	[smem:$0x3FAD] =	sst s3  }
0xc: {  	[smem:$0x3FAE] =	sst s4  }
0xd: {  	[smem:$0x3FAF] =	sst s5  }
0xe: {  	[smem:$0x3FB0] =	sst s6  }
0xf: {  	[smem:$0x3FB1] =	sst s7  }
0x10: {  	[smem:$0x3FB2] =	sst s8  }
0x11: {  	[smem:$0x3FB3] =	sst s9;
	s0 =	simm.s32 @!p0 $0x0  }
0x12: {  	s1 =	sld [smem:$0x3F99];
	s0 =	simm.s32 @p0 $0x1  }
0x13: {  	[smem:$0x3FB4] =	sst s0;
	s0 =	simm.s32 @!p1 $0x0  }
0x14: {  	s2 =	sld [smem:$0x3F98];
	s0 =	simm.s32 @p1 $0x1  }
0x15: {  	[smem:$0x3FB5] =	sst s0;
	s0 =	simm.s32 @!p2 $0x0  }
0x16: {  	s3 =	sld [smem:$0x3FDB];
	s0 =	simm.s32 @p2 $0x1  }
0x17: {  	s4 =	simm.s32 $0x1BF5;
	[smem:$0x3FB7] =	sst s0  }
0x18: {  	s0 =	sld [smem:$0x3F9A];
	_ =	swait.ge [sflag:s4], $0x0  }
0x19: {  	s7 =	sld [smem:$0x3F9B]  }
0x1a: {  	s8 =	sadd.s32 $0xFFFFE003, lr  }
0x1b: {  	s9 =	sadd.s32 $0xFFFFFEF7, lr;
	s5 =	simm.s32 $0xFFFFFFFF;
	p2 =	slt.u32 s8, $0xFFFFF086  }
0x1c: {  	p1 =	slt.u32 s9, $0xF7A;
	s5 =	simm.s32 @!p2 $0x0  }
0x1d: {  	s5 =	simm.s32 @p1 $0x1;
	p0 =	seq.s32 s7, s2  }
0x1e: {  	s7 =	smul.u32 @!p0 $0xF7A, s2;
	p2 =	seq.s32 @!p0 s5, $0x0  }
0x1f: {  	s9 =	smul.u32 $0xF7A, s1;
	s8 =	simm.s32 @!p0 $0x1BF5;
	p2 =	por !p2, p0  }
0x20: {  	[sflag:s8] =	ssyncset.s32 @!p0 $0xFFFFF086;
	s6 =	sadd.s32 @!p0 s3, s7;
	s7 =	simm.s32 @!p0 $0x108  }
0x21: {  	s3 =	sadd.s32 s3, s9;
	s6 =	sadd.s32 @!p0 $0x88, s6;
	s7 =	simm.s32 @p2 $0x1082  }
0x22: {  	[simem:s7], [sflag:s8] =	dma.local @!p0 [hbm:s6], $0xF7A  }
0x23: {  	s9 =	sor.u32 $0xD0000000, s2;
	s6 =	simm.s32 $0x108;
	_ =	swait.ge @!p0 [sflag:s8], $0x0  }
0x24: {  	s3 =	sadd.s32 $0x88, s3;
	s6 =	simm.s32 @!p1 $0x1082;
	[sflag:s4] =	ssyncset.s32 $0xFFFFF086  }
0x25: {  	[simem:s6], [sflag:s4] =	dma.local [hbm:s3], $0xF7A  }
0x26: {  	[smem:$0x3F9B] =	sst s1;
	(tag) =	ssettag s2;
	_ =	strace s9  }
0x27: {  	s1 =	sld [smem:$0x3FAB]  }
0x28: {  	s2 =	sld [smem:$0x3FAC]  }
0x29: {  	s4 =	sld [smem:$0x3FAE]  }
0x2a: {  	p0 =	seq.s32 s5, $0x0;
	s5 =	sld [smem:$0x3FAF]  }
0x2b: {  	s6 =	sld [smem:$0x3FB0]  }
0x2c: {  	s7 =	sld [smem:$0x3FB1]  }
0x2d: {  	s3 =	simm.s32 $0x108;
	s8 =	sld [smem:$0x3FB2]  }
0x2e: {  	s3 =	simm.s32 @!p0 $0x1082;
	s9 =	sld [smem:$0x3FB3]  }
0x2f: {  	lr =	sadd.s32 s0, s3;
	s0 =	sld [smem:$0x3FAA]  }
0x30: {  	s3 =	sld [smem:$0x3FAD]  }
0x31: {  	[smem:$0x3FB6] =	sst s10  }
0x32: {  	s10 =	sld [smem:$0x3FB4];
	_ =	sdelay $0x3  }
0x33: {  	p0 =	seq.s32 s10, $0x1;
	s10 =	sld [smem:$0x3FB6];
	_ =	sdelay $0x3  }
0x34: {  	[smem:$0x3FB6] =	sst s10  }
0x35: {  	s10 =	sld [smem:$0x3FB5];
	_ =	sdelay $0x3  }
0x36: {  	p1 =	seq.s32 s10, $0x1;
	s10 =	sld [smem:$0x3FB6];
	_ =	sdelay $0x3  }
0x37: {  	[smem:$0x3FB6] =	sst s10  }
0x38: {  	s10 =	sld [smem:$0x3FB7]  }
0x39: {  	_ = 	snop;
	(pc) =	sbr.ind lr, $3  }
0x3a: {  	_ = 	snop  }
0x3b: {  	_ = 	snop  }
0x3c: {  	p2 =	seq.s32 s10, $0x1;
	s10 =	sld [smem:$0x3FB6]  }
0x3d: {  	_ =	shalt  }
0x3e: {  	_ =	shalt  }
0x3f: {  	_ =	shalt  }
0x40: {  	_ =	shalt  }
0x41: {  	_ =	shalt  }
0x42: {  	_ =	shalt  }
0x43: {  	_ =	shalt  }
0x44: {  	_ =	shalt  }
0x45: {  	_ =	shalt  }
0x46: {  	_ =	shalt  }
0x47: {  	_ =	shalt  }
0x48: {  	_ =	shalt  }
0x49: {  	_ =	shalt  }
0x4a: {  	_ =	shalt  }
0x4b: {  	_ =	shalt  }
0x4c: {  	_ =	shalt  }
0x4d: {  	_ =	shalt  }
0x4e: {  	_ =	shalt  }
0x4f: {  	_ =	shalt  }
0x50: {  	_ =	shalt  }
0x51: {  	_ =	shalt  }
0x52: {  	_ =	shalt  }
0x53: {  	_ =	shalt  }
0x54: {  	_ =	shalt  }
0x55: {  	_ =	shalt  }
0x56: {  	_ =	shalt  }
0x57: {  	_ =	shalt  }
0x58: {  	_ =	shalt  }
0x59: {  	_ =	shalt  }
0x5a: {  	_ =	shalt  }
0x5b: {  	_ =	shalt  }
0x5c: {  	_ =	shalt  }
0x5d: {  	_ =	shalt  }
0x5e: {  	_ =	shalt  }
0x5f: {  	_ =	shalt  }
0x60: {  	_ =	shalt  }
0x61: {  	_ =	shalt  }
0x62: {  	_ =	shalt  }
0x63: {  	_ =	shalt  }
0x64: {  	_ =	shalt  }
0x65: {  	_ =	shalt  }
0x66: {  	_ =	shalt  }
0x67: {  	_ =	shalt  }
0x68: {  	_ =	shalt  }
0x69: {  	_ =	shalt  }
0x6a: {  	_ =	shalt  }
0x6b: {  	_ =	shalt  }
0x6c: {  	_ =	shalt  }
0x6d: {  	_ =	shalt  }
0x6e: {  	_ =	shalt  }
0x6f: {  	_ =	shalt  }
0x70: {  	_ =	shalt  }
0x71: {  	_ =	shalt  }
0x72: {  	_ =	shalt  }
0x73: {  	_ =	shalt  }
0x74: {  	_ =	shalt  }
0x75: {  	_ =	shalt  }
0x76: {  	_ =	shalt  }
0x77: {  	_ =	shalt  }
0x78: {  	_ =	shalt  }
0x79: {  	_ =	shalt  }
0x7a: {  	_ =	shalt  }
0x7b: {  	_ =	shalt  }
0x7c: {  	_ =	shalt  }
0x7d: {  	_ =	shalt  }
0x7e: {  	_ =	shalt  }
0x7f: {  	_ =	shalt  }
0x80: {  	_ =	shalt  }
0x81: {  	_ =	shalt  }
0x82: {  	_ =	shalt  }
0x83: {  	_ =	shalt  }
0x84: {  	_ =	shalt  }
0x85: {  	_ =	shalt  }
0x86: {  	_ =	shalt  }
0x87: {  	_ =	shalt  }
.Lfunc_end0:
.L_simem_size_0:
called_computation_lowered:
.L_overlay_start_0:
0x88: {  	s2 =	sld [smem:$0x3FD9]  }
0x89: {  	s3 =	sld [smem:$0x3FFE];
	_ =	sdelay $0x1  }
0x8a: {  	s1 =	srdreg.scid  }
0x8b: {  	s0 =	sand.u32 $0x1, s1  }
0x8c: {  	s17 =	sshll.u32 s0, $0xA;
	s2 =	sadd.s32 s3, s2  }
0x8d: {  	s2 =	sadd.s32 s2, s17  }
0x8e: {  	[smem:$0x3FC2] =	sst s2  }
0x8f: {  	_ = 	snop  }
0x90: {  	s2 =	sld [smem:$0x3FC8];
	(tm) =	ssettm $0x1  }
0x91: {  	s18 =	sld [smem:$0x3FFB];
	_ =	sdelay $0x3  }
0x92: {  	_ =	strace s18  }
0x93: {  	s3 =	sld [smem:$0x3FFC];
	_ =	sdelay $0x3  }
0x94: {  	_ =	strace s3  }
0x95: {  	s3 =	sld [smem:$0x3FFD];
	_ =	sdelay $0x3  }
0x96: {  	_ =	strace s3  }
0x97: {  	_ =	strace $0x8FFFFFFF  }
0x98: {  	s19 =	sld [smem:$0x3FDB];
	_ =	sdelay $0x1  }
0x99: {  	s4 =	simm.s32 $_scs_section_size  }
0x9a: {  	s5 =	simm.s32 $_size__tile_overlayer_lowered;
	s6 =	simm.s32 $_tile_overlayer_lowered  }
0x9b: {  	s22 =	simm.s32 $0x1BFF;
	s21 =	sshll.u32 s6, $0x1;
	s3 =	sadd.s32 s4, s19  }
0x9c: {  	s7 =	simm.s32 $0x0;
	s20 =	sshll.u32 s5, $0x1;
	s5 =	sadd.s32 s21, s3  }
0x9d: {  	[timem:s7], [sflag:s22] =	dma.local [hbm:s5], s20  }
0x9e: {  	_ =	swait.ge [sflag:s22], s20  }
0x9f: {  	s4 =	ssub.s32 $0x0, s20;
	[sflag:s22] =	ssyncset.done $0x0  }
0xa0: {  	[sflag:s22] =	ssyncadd.s32 s4;
	_ =	sdelay $0x1  }
0xa1: {  	s23 =	simm.s32 $0x1B8B  }
0xa2: {  	_ =	swait.ge [sflag:s23], $0x1  }
0xa3: {  	[sflag:s23] =	ssyncset.done $0x0  }
0xa4: {  	s25 =	simm.s32 $0x1B8E;
	s24 =	sld [smem:$0x3FFE];
	[sflag:s23] =	ssyncadd.s32 $0xFFFFFFFF  }
0xa5: {  	s26 =	simm.s32 $execute0_lowered;
	[smem:$0x3FD2] =	sst s25  }
0xa6: {  	s5 =	sshll.u32 s26, $0x1;
	_ =	strace $0x80000046;
	[dreg:$0x1] =	wrdreg $0xFFFFFFFF  }
0xa7: {  	s28 =	simm.s32 $_size_execute0_lowered;
	s3 =	sadd.s32 s3, s5;
	[dreg:$0x0] =	wrdreg $0x0  }
0xa8: {  	s5 =	sshll.u32 s28, $0x1;
	[dreg:$0x2] =	wrdreg s3  }
0xa9: {  	[dreg:$0x3] =	wrdreg s5  }
0xaa: {  	[dreg:$0x4] =	wrdreg $0xC0  }
0xab: {  	_ =	task [dreg:s7], $0x5FFFF  }
0xac: {  	[dreg:$0x1] =	wrdreg $0xFFFFFFFF  }
0xad: {  	[dreg:$0x0] =	wrdreg $0x60  }
0xae: {  	[dreg:$0x2] =	wrdreg s24  }
0xaf: {  	[dreg:$0x3] =	wrdreg s2  }
0xb0: {  	[dreg:$0x4] =	wrdreg $0x9  }
0xb1: {  	_ =	task.clear_ibuf [dreg:s7], $0x5FFFF;
	_ =	strace $0x90000046  }
0xb2: {  	s29 =	simm.s32 $0x9;
	_ =	strace $0x80000048  }
0xb3: {  	_ =	swait.ge [sflag:s29], $0x1  }
0xb4: {  	[sflag:s29] =	ssyncadd.s32 $0xFFFFFFFF  }
0xb5: {  	_ =	strace $0x90000048  }
0xb6: {  	_ =	sfence  }
0xb7: {  	s30 =	sld [smem:$0x0];
	_ =	sdelay $0x2  }
0xb8: {  	s31 =	sshll.u32 s1, $0xD;
	s1 =	sshrl.u32 s1, $0x2  }
0xb9: {  	s3 =	sand.u32 $0x4000, s31;
	s1 =	sadd.s32 s1, s30  }
0xba: {  	s0 =	sor.u32 s3, s0;
	s1 =	sshll.u32 s1, $0x11  }
0xbb: {  	s0 =	sor.u32 s1, s0  }
0xbc: {  	s0 =	sadd.s32 $0x8F2B, s0  }
0xbd: {  	[sflag:s0] =	ssyncadd.remote.s32 $0x1  }
0xbe: {  	_ =	sfence.sel $0xFFFF  }
0xbf: {  	[dreg:$0x0] =	wrdreg $0xFFFFFFFF;
	(pc) =	sbr.abs _section_cstart, $3  }
0xc0: {  	[dreg:$0x1] =	wrdreg $0xFFFFFFFF  }
0xc1: {  	_ =	task.clear_ibuf [dreg:s7], $0x2FFFF;
	_ =	strace $0x9FFFFFFF  }
0xc2: {  	(tm) =	ssettm $0x7FFFFFFF  }
0xc3: {  	_ =	shalt  }
tec
execute0_lowered:
.L_overlay_start_1:
0x0: {  	(tag) =	ssettag $0x1  }
0x1: {  	s3 =	rddreg [dreg:$0x0]  }
0x2: {  	s1 =	rddreg [dreg:$0x1]  }
0x3: {  	s0 =	rddreg [dreg:$0x2];
	s2 =	simm.s32 $0x0;
	v0 =	vimm.s32 $0xFEDCBA98  }
0x4: {  	s4 =	srdreg.scid;
	v1 =	vimm.s32 $0x76543210;
	s9 =	simm.s32 $0x400;
	s10 =	simm.s32 $0x8400;
	v0 =	vunpack.c.l.s4.s8 v0  }
0x5: {  	s11 =	simm.s32 $0x0;
	[smem:$0x7FF] =	sst s2;
	s6 =	sand.u32 $0x1, s4;
	v1 =	vunpack.c.l.s4.s8 v1  }
0x6: {  	s4 =	sadd.s32 $0xA00, s3;
	s5 =	sadd.s32 $0x800A00, s3;
	s7 =	ssub.s32 $0x2, s6;
	v0 =	vunpack.c.0.s8.s32 v0  }
0x7: {  	s3 =	stileid.u32;
	_ =	strace $0x80000047;
	s8 =	sshrl.u32 s7, $0x1;
	v1 =	vunpack.c.0.s8.s32 v1  }
0x8: {  	s31 =	sshll.u32 s3, $0xC;
	s6 =	sshll.u32 s6, $0xB;
	s7 =	ssub.s32 s7, s8;
	v0 =	vand.u32 $0xF, v0  }
0x9: {  	vm0 =	vmmov $0xff;
	s6 =	sor.u32 s6, s31;
	s8 =	simm.s32 $0x1;
	s7 =	smax.u32 s7, $0x1;
	v0 =	vcombine.low v0, v1  }
.LBB2_1:
0xa: {  	[tilespmem:s2], [sflag:$0x1] =	stream.linear.gather [hbm4b:s1+s2], $0x400, $0x38;
	[tilespmem:$0x9400] =	vst v63  }
0xb: {  	_ =	swait.ge [sflag:s8], $0x400  }
0xc: {  	[sflag:s8] =	ssyncset.done $0x0  }
0xd: {  	s12 =	simm.s32 $0x0;
	s13 =	simm.s32 $0x40;
	[sflag:s8] =	ssyncadd.s32 $0xFFFFFC00  }
.LBB2_2:
0xe: {  	p0 =	sne.s32 s13, $0xF40;
	v1 =	vld [tilespmem:s12+$0x0];
	_ =	sdelay $0x1  }
.Ltmp0:
0xf: {  	(pc) =	sbr.rel @p0 .LBB2_2-.Ltmp0, $3  }
0x10: {  	_ =	sdelay $0x1  }
0x11: {  	v1 =	vmax.f32 v1, $0.0e+00  }
0x12: {  	[tilespmem:s12+$0x0] =	vst v1;
	s12 =	sshra.s32 s13, $0x2;
	s13 =	sadd.s32 $0x40, s13  }
0x13: {  	v1 =	vld [tilespmem:s12+$0x0];
	_ =	sdelay $0x4  }
0x14: {  	v1 =	vmax.f32 v1, $0.0e+00  }
0x15: {  	[tilespmem:s12+$0x0] =	vst v1  }
0x16: {  	v1 =	vld [tilespmem:$0x3D8];
	_ =	sdelay $0x4  }
0x17: {  	v1 =	vmax.f32 v1, $0.0e+00  }
0x18: {  	v1 =	vsel vm0, $0x0, v1  }
0x19: {  	s13 =	simm.s32 $0x0;
	s12 =	simm.s32 $0x0;
	v1 =	vperm.xlane v1, v0  }
.LBB2_4:
0x1a: {  	s14 =	sshll.u32 s13, $0x5  }
0x1b: {  	s14 =	sadd.s32 s6, s14  }
0x1c: {  	s15 =	sshll.u32 s14, $0x7  }
0x1d: {  	s15 =	sadd.s32 s4, s15  }
0x1e: {  	[tilespmem:s9], [sflag:$0x1] =	stream.linear.gather [hbm4b:s15+s12], $0x8000, $0x38;
	[tilespmem:$0x9400] =	vst v63  }
0x1f: {  	_ =	swait.ge [sflag:s8], $0x8000  }
0x20: {  	[sflag:s8] =	ssyncset.done $0x0  }
0x21: {  	s15 =	simm.s32 $0x0;
	[sflag:s8] =	ssyncadd.s32 $0xFFFF8000  }
.LBB2_5:
0x22: {  	s18 =	sshll.u32 s15, $0xA;
	s16 =	sshll.u32 s15, $0x7  }
0x23: {  	s17 =	sand.u32 $0x6000, s18;
	s19 =	sand.u32 $0x380, s16  }
0x24: {  	s20 =	simm.s32 $0x0;
	s17 =	sor.u32 s19, s17  }
0x25: {  	s21 =	sand.u32 $0x1C00, s20;
	s17 =	sor.u32 $0x400, s17  }
0x26: {  	s20 =	sand.u32 $0x70, s20;
	s21 =	sadd.s32 s21, s17  }
0x27: {  	s21 =	sadd.s32 s20, s21  }
0x28: {  	v5 =	vld [tilespmem:s21+$0x0]  }
0x29: {  	v2 =	vimm.f32 $-Inf;
	s20 =	simm.s32 $0x10;
	s21 =	simm.s32 $0x80  }
.LBB2_6:
0x2a: {  	s22 =	sand.u32 $0x1C00, s21  }
0x2b: {  	p0 =	sne.s32 s20, $0x3D0;
	s23 =	smov.u32 s20;
	s20 =	sadd.s32 $0x10, s20  }
.Ltmp1:
0x2c: {  	s23 =	sand.u32 $0x70, s23;
	s22 =	sadd.s32 s22, s17;
	(pc) =	sbr.rel @p0 .LBB2_6-.Ltmp1, $3  }
0x2d: {  	s22 =	sadd.s32 s23, s22;
	v2 =	vmax.f32 v2, v5  }
0x2e: {  	v5 =	vld [tilespmem:s22+$0x0];
	_ =	sdelay $0x1  }
0x2f: {  	s21 =	sadd.s32 $0x80, s21  }
0x30: {  	s18 =	sor.u32 s18, s19  }
0x31: {  	s19 =	sor.u32 $0x1C50, s18  }
0x32: {  	s31 =	simm.s32 $0x0;
	s18 =	sor.u32 $0x1C60, s18;
	v3 =	vld [tilespmem:s19+$0x400]  }
0x33: {  	s21 =	sand.u32 $0x7000, s31;
	v4 =	vld.msk [tilespmem:s18+$0x400], $0xff  }
0x34: {  	s18 =	sshrl.u32 s21, $0x2  }
0x35: {  	s20 =	sand.u32 $0x70, s31;
	s18 =	sadd.s32 s18, s17  }
0x36: {  	s18 =	sadd.s32 s20, s18  }
0x37: {  	v6 =	vld [tilespmem:s18+$0x0]  }
0x38: {  	v7 =	vperm.xlane v3, v0;
	v8 =	vperm.xlane v4, v0  }
0x39: {  	s22 =	simm.s32 $0x200  }
0x3a: {  	s23 =	sand.u32 $0x7000, s22;
	v2 =	vmax.f32 v2, v5;
	v5 =	vsel vm0, v7, v8  }
0x3b: {  	s20 =	sshrl.u32 s23, $0x2;
	s18 =	simm.s32 $0x10;
	v2 =	vmax.f32 v2, v5  }
0x3c: {  	s20 =	sadd.s32 s20, s17;
	s21 =	sand.u32 $0x70, s18;
	v5 =	vsub.f32 v6, v2  }
0x3d: {  	s20 =	sadd.s32 s21, s20  }
0x3e: {  	s22 =	simm.s32 $0x400;
	v6 =	vld [tilespmem:s20+$0x0];
	v5 =	vmul.f32 $1.442695020e+00, v5  }
0x3f: {  	s24 =	sand.u32 $0x7000, s22  }
0x40: {  	s25 =	simm.s32 $0x20;
	s26 =	sshrl.u32 s24, $0x2;
	(erf) = vpow2.f32 v5  }
0x41: {  	s28 =	sand.u32 $0x70, s25;
	s20 =	sadd.s32 s26, s17  }
0x42: {  	s20 =	sadd.s32 s28, s20  }
0x43: {  	v5 =	vld [tilespmem:s20+$0x0];
	v6 =	vsub.f32 v6, v2;
	_ =	sdelay $0x1  }
0x44: {  	s29 =	simm.s32 $0x600;
	v7 =	vld [tilespmem:s31+$0x0];
	v8 =	vmul.f32 $1.442695020e+00, v6  }
0x45: {  	s30 =	sand.u32 $0x7000, s29  }
0x46: {  	s19 =	sshrl.u32 s30, $0x2;
	s31 =	simm.s32 $0x30;
	(erf) = vpow2.f32 v8  }
0x47: {  	s19 =	sadd.s32 s19, s17;
	s20 =	sand.u32 $0x70, s31;
	v9 =	vsub.f32 v5, v2  }
0x48: {  	s20 =	sadd.s32 s20, s19;
	v6 =	vperm.xlane v2, v0;
	v10 =	vpop (erf)  }
0x49: {  	s19 =	simm.s32 $0x40;
	v5 =	vimm.f32 $0.0e+00;
	v8 =	vld [tilespmem:s20+$0x0];
	s20 =	simm.s32 $0x800;
	v9 =	vmul.f32 $1.442695020e+00, v9;
	v7 =	vmul.f32 v10, v7  }
.LBB2_8:
0x4a: {  	s21 =	sand.u32 $0x7000, s20  }
0x4b: {  	p0 =	sne.s32 s19, $0x3D0;
	v10 =	vld [tilespmem:s18+$0x0];
	s22 =	smov.u32 s19;
	s19 =	sadd.s32 $0x10, s19  }
.Ltmp2:
0x4c: {  	s21 =	sshrl.u32 s21, $0x2;
	(erf) = vpow2.f32 v9;
	v5 =	vadd.f32 v7, v5;
	(pc) =	sbr.rel @p0 .LBB2_8-.Ltmp2, $4  }
0x4d: {  	s22 =	sand.u32 $0x70, s22;
	s21 =	sadd.s32 s21, s17  }
0x4e: {  	s21 =	sadd.s32 s22, s21;
	v7 =	vsub.f32 v8, v2  }
0x4f: {  	v8 =	vld [tilespmem:s21+$0x0];
	v11 =	vpop (erf)  }
0x50: {  	s20 =	sadd.s32 $0x200, s20;
	s18 =	sadd.s32 $0x10, s18;
	v9 =	vmul.f32 $1.442695020e+00, v7;
	v7 =	vmul.f32 v11, v10  }
0x51: {  	_ =	sdelay $0x2  }
0x52: {  	v8 =	vsub.f32 v8, v2  }
0x53: {  	v3 =	vsub.f32 v3, v6  }
0x54: {  	v4 =	vsub.f32 v4, v6;
	v8 =	vmul.f32 $1.442695020e+00, v8  }
0x55: {  	(erf) = vpow2.f32 v9;
	v3 =	vmul.f32 $1.442695020e+00, v3  }
0x56: {  	v4 =	vmul.f32 $1.442695020e+00, v4;
	(erf) = vpow2.f32 v8  }
0x57: {  	(erf) = vpow2.f32 v3  }
0x58: {  	(erf) = vpow2.f32 v4;
	_ =	sdelay $0x1  }
0x59: {  	v3 =	vld [tilespmem:s18+$0x0]  }
0x5a: {  	s17 =	sadd.s32 $0x10, s18  }
0x5b: {  	v56 =	vld [tilespmem:s17+$0x0]  }
0x5c: {  	s17 =	sadd.s32 $0x10, s17;
	v57 =	vpop (erf)  }
0x5d: {  	v59 =	vld [tilespmem:s17+$0x0];
	v58 =	vpop (erf)  }
0x5e: {  	v5 =	vadd.f32 v7, v5;
	v3 =	vmul.f32 v57, v3;
	v10 =	vpop (erf)  }
0x5f: {  	v60 =	vpop (erf)  }
0x60: {  	v4 =	vmul.f32 v58, v56;
	v3 =	vadd.f32 v3, v5;
	v61 =	vpop (erf)  }
0x61: {  	v6 =	vmul.f32 v1, v60;
	v5 =	vmul.f32 v1, v61  }
0x62: {  	s15 =	sadd.s32 $0x1, s15;
	v3 =	vadd.f32 v4, v3;
	v62 =	vmul.f32 v10, v59  }
0x63: {  	p0 =	sne.s32 s15, $0x20;
	v6 =	vperm.xlane v6, v0;
	v5 =	vperm.xlane v5, v0  }
.Ltmp3:
0x64: {  	v3 =	vadd.f32 v62, v3;
	(pc) =	sbr.rel @p0 .LBB2_5-.Ltmp3, $4  }
0x65: {  	v63 =	vsel vm0, v6, v5  }
0x66: {  	v3 =	vadd.f32 v63, v3  }
0x67: {  	[tilespmem:s16+$0x8400] =	vst v2  }
0x68: {  	[tilespmem:s16+$0x8410] =	vst v3  }
0x69: {  	s13 =	sadd.s32 $0x1, s13  }
0x6a: {  	s14 =	sshll.u32 s14, $0x4;
	p0 =	sne.s32 s13, $0x40  }
.Ltmp4:
0x6b: {  	s14 =	sadd.s32 s5, s14;
	(pc) =	sbr.rel @p0 .LBB2_4-.Ltmp4, $4  }
0x6c: {  	[hbm4b:s14+s2] =	stream.linear.scatter [tilespmem:s10], [sflag:$0x1], $0x1000, $0x38;
	[tilespmem:$0x9400] =	vst v63  }
0x6d: {  	_ =	swait.ge [sflag:s8], $0x1000  }
0x6e: {  	[sflag:s8] =	ssyncset.done $0x0  }
0x6f: {  	[sflag:s8] =	ssyncadd.s32 $0xFFFFF000  }
0x70: {  	s11 =	sadd.s32 $0x1, s11  }
0x71: {  	p0 =	sne.s32 s11, s7  }
.Ltmp5:
0x72: {  	_ = 	snop;
	(pc) =	sbr.rel @p0 .LBB2_1-.Ltmp5, $1  }
0x73: {  	_ =	sdelay $0x3  }
0x74: {  	_ =	sfence.sel $0x180000  }
0x75: {  	[bflag:$0x0] =	sbarrier.arrive $0xFFFF  }
0x76: {  	p0 =	sne.s32 s3, $0x0;
	_ =	strace $0x90000047  }
0x77: {  	s0 =	sadd.s32 @!p0 $0x100000, s0;
	[bflag:$0x2] =	sbarrier.arrive $0xFFFF  }
0x78: {  	[sflag:s0] =	ssyncadd.tile.s32 @!p0 $0x1;
	_ =	shalt  }
.Lfunc_end2:
_tile_overlayer_lowered:
.L_overlay_start_2:
0x79: {  	(tag) =	ssettag $0x2  }
0x7a: {  	s0 =	rddreg [dreg:$0x0];
	s2 =	stileid.u32  }
0x7b: {  	s1 =	rddreg [dreg:$0x1];
	p0 =	sne.s32 s2, $0x0  }
0x7c: {  	s3 =	rddreg [dreg:$0x2];
	[bflag:$0x3] =	sbarrier.arrive $0xFFFF;
	s2 =	simm.s32 @!p0 $0x1C01  }
0x7d: {  	[timem:s3], [sflag:s2] =	dma.local @!p0 [hbm:s0], s1  }
0x7e: {  	s0 =	simm.s32 @!p0 $0x1  }
0x7f: {  	_ =	swait.ge @!p0 [sflag:s0], s1  }
0x80: {  	s1 =	ssub.s32 @!p0 $0x0, s1;
	[sflag:s0] =	ssyncset.done @!p0 $0x0  }
0x81: {  	[sflag:s0] =	ssyncadd.s32 @!p0 s1  }
0x82: {  	[bflag:$0x3] =	sbarrier.arrive $0xFFFF  }
0x83: {  	_ =	shalt  }

</sc_bundles>
